<compile_context>
chip_gen: v7x
topology: tpu7x:2x2x1
jax: 0.10.2.dev20260603
libtpu: 0.0.44.dev20260713+nightly
codegen_flags: <defaults>
</compile_context>

<pallas_src>
import jax
import jax.numpy as jnp
from jax import lax
from jax.experimental import pallas as pl
from jax.experimental.pallas import tpu as pltpu
from jax.experimental.pallas import tpu_sc as plsc

N_NODES = 10000
N_EDGES = 320000
HIDDEN = 128
NUM_SC = 2
NUM_SUBCORES = 16
NUM_WORKERS = NUM_SC * NUM_SUBCORES
EDGES_PER_WORKER = N_EDGES // NUM_WORKERS
ROW_BLOCK = 5120


N_PAD = 10240


def _sc_count_body(tgt_hbm, zeros_hbm, ones_hbm, cnt_hbm,
                   idx_v, ones_v, cnt_sh, idx_sem, ones_sem):
    c = lax.axis_index("c")
    s = lax.axis_index("s")
    wid = c * NUM_SUBCORES + s

    idx_cp = pltpu.async_copy(
        tgt_hbm.at[pl.ds(wid * EDGES_PER_WORKER, EDGES_PER_WORKER)], idx_v, idx_sem)
    ones_cp = pltpu.async_copy(ones_hbm, ones_v, ones_sem)

    zslice = N_PAD // NUM_SUBCORES
    pltpu.sync_copy(zeros_hbm, cnt_sh.at[pl.ds(s * zslice, zslice)])
    plsc.subcore_barrier()

    idx_cp.wait()
    ones_cp.wait()
    pltpu.sync_copy(ones_v, cnt_sh.at[idx_v], add=True)

    plsc.subcore_barrier()

    @pl.when(s == 0)
    def _writeback():
        pltpu.sync_copy(cnt_sh, cnt_hbm.at[c])


def _count_incoming(tgt):
    zeros = jnp.zeros((N_PAD // NUM_SUBCORES,), jnp.float32)
    ones = jnp.ones((EDGES_PER_WORKER,), jnp.float32)
    mesh = plsc.VectorSubcoreMesh(
        core_axis_name="c", subcore_axis_name="s",
        num_cores=NUM_SC, num_subcores=NUM_SUBCORES)
    f = pl.kernel(
        _sc_count_body,
        out_type=jax.ShapeDtypeStruct((NUM_SC, N_PAD), jnp.float32),
        mesh=mesh,
        scratch_types=[
            pltpu.VMEM((EDGES_PER_WORKER,), jnp.int32),
            pltpu.VMEM((EDGES_PER_WORKER,), jnp.float32),
            pltpu.VMEM_SHARED((N_PAD,), jnp.float32),
            pltpu.SemaphoreType.DMA,
            pltpu.SemaphoreType.DMA,
        ],
    )
    return f(tgt, zeros, ones)


def _tc_body(cnt_ref, x_ref, wvt_ref, wot_ref, b_ref, o_ref):
    t = jnp.dot(x_ref[...], wvt_ref[...], preferred_element_type=jnp.float32)
    y = jnp.dot(t, wot_ref[...], preferred_element_type=jnp.float32)
    total_row = cnt_ref[0:1, :] + cnt_ref[1:2, :]
    total = jnp.transpose(total_row, (1, 0))
    o_ref[...] = jnp.where(total > 0.0, y, 0.0) + b_ref[...]


def _masked_projection(counts_t, x, wvt, wot, b2d):
    return pl.pallas_call(
        _tc_body,
        grid=((N_NODES + ROW_BLOCK - 1) // ROW_BLOCK,),
        in_specs=[
            pl.BlockSpec((NUM_SC, ROW_BLOCK), lambda i: (0, i)),
            pl.BlockSpec((ROW_BLOCK, HIDDEN), lambda i: (i, 0)),
            pl.BlockSpec((HIDDEN, HIDDEN), lambda i: (0, 0)),
            pl.BlockSpec((HIDDEN, HIDDEN), lambda i: (0, 0)),
            pl.BlockSpec((1, HIDDEN), lambda i: (0, 0)),
        ],
        out_specs=pl.BlockSpec((ROW_BLOCK, HIDDEN), lambda i: (i, 0)),
        out_shape=jax.ShapeDtypeStruct((N_NODES, HIDDEN), jnp.float32),
    )(counts_t, x, wvt, wot, b2d)


def kernel(x, edge_index, edge_attr, W_q, W_k, W_v, W_edge, W_out, b_out):
    tgt = edge_index[1].astype(jnp.int32)
    counts = _count_incoming(tgt)
    return _masked_projection(
        counts, x, W_v.T, W_out.T, b_out.reshape(1, HIDDEN))

# --- scband reference (transcript-rebuilt; emitter-appended) ---
"""Pipeline reference for scband-edge-attention-layer-46617575031164 (READ-ONLY COPY).

The authoritative reference and input builder live on the scoring server;
editing this copy changes nothing except your own understanding.
"""

import jax, jax.numpy as jnp
import numpy as np

N_NODES = 10000
N_EDGES = 320000
HIDDEN = 128
EDGE_DIM = 16
HEADS = 8
HEAD_DIM = HIDDEN // HEADS


def setup_inputs(seed: int = 0) -> dict:
    key = jax.random.key(seed)
    ks = jax.random.split(key, 9)
    x = jax.random.normal(ks[0], (N_NODES, HIDDEN), dtype=jnp.float32)
    edge_index = jax.random.randint(ks[1], (2, N_EDGES), 0, N_NODES, dtype=jnp.int64)
    edge_attr = jax.random.normal(ks[2], (N_EDGES, EDGE_DIM), dtype=jnp.float32)
    s = 1.0 / np.sqrt(HIDDEN)
    W_q = jax.random.normal(ks[3], (HIDDEN, HIDDEN), dtype=jnp.float32) * s
    W_k = jax.random.normal(ks[4], (HIDDEN, HIDDEN), dtype=jnp.float32) * s
    W_v = jax.random.normal(ks[5], (HIDDEN, HIDDEN), dtype=jnp.float32) * s
    W_edge = jax.random.normal(ks[6], (HEADS, EDGE_DIM), dtype=jnp.float32) * (1.0 / np.sqrt(EDGE_DIM))
    W_out = jax.random.normal(ks[7], (HIDDEN, HIDDEN), dtype=jnp.float32) * s
    b_out = jnp.zeros((HIDDEN,), dtype=jnp.float32)
    return {"x": x, "edge_index": edge_index, "edge_attr": edge_attr,
            "W_q": W_q, "W_k": W_k, "W_v": W_v, "W_edge": W_edge,
            "W_out": W_out, "b_out": b_out}


def reference(x, edge_index, edge_attr, W_q, W_k, W_v, W_edge, W_out, b_out):
    N = x.shape[0]
    Q = (x @ W_q.T).reshape(N, HEADS, HEAD_DIM)
    K = (x @ W_k.T).reshape(N, HEADS, HEAD_DIM)
    V = (x @ W_v.T).reshape(N, HEADS, HEAD_DIM)
    src = edge_index[0]
    tgt = edge_index[1]
    Q_src = Q[src]            # [E, H, Dh]  (gather)
    K_tgt = K[tgt]            # [E, H, Dh]  (gather)
    V_tgt = V[tgt]            # [E, H, Dh]  (gather)
    attn_score = (Q_src * K_tgt).sum(axis=-1) / jnp.sqrt(jnp.float32(HEAD_DIM))  # [E, H]
    edge_bias = edge_attr @ W_edge.T  # [E, H]
    attn_score = attn_score + edge_bias
    # segment softmax over tgt, per head (matches torch_geometric softmax)
    seg_max = jax.ops.segment_max(attn_score, tgt, num_segments=N)   # [N, H]
    seg_max = jnp.where(jnp.isfinite(seg_max), seg_max, 0.0)
    exp_score = jnp.exp(attn_score - seg_max[tgt])                   # [E, H]
    denom = jax.ops.segment_sum(exp_score, tgt, num_segments=N)      # [N, H]
    attn = exp_score / (denom[tgt] + 1e-16)                          # [E, H]
    # dropout p=0.0 -> identity
    weighted = attn[:, :, None] * V_tgt                              # [E, H, Dh]
    aggregated = jax.ops.segment_sum(weighted, tgt, num_segments=N)  # [N, H, Dh]  (scatter-add)
    out = aggregated.reshape(N, HIDDEN)
    out = out @ W_out.T + b_out
    return out


if False:  # reference __main__ guard neutralized (emitter)
    inp = setup_inputs()
    o = reference(**inp)
    print(o.shape, o.dtype)

if __name__ == "__main__":
    import jax
    _d = setup_inputs()
    print(jax.jit(kernel)(*tuple(_d.values())))

</pallas_src>

<mosaic_0001>
#map = affine_map<(d0, d1) -> (0)>
#map1 = affine_map<(d0, d1) -> (0, 0)>
module attributes {stable_mosaic.version = 14 : i64} {
  func.func @_sc_count_body(%arg0: i32, %arg1: i32, %arg2: memref<320000xi32, #tpu.memory_space<hbm>>, %arg3: memref<640xf32, #tpu.memory_space<hbm>>, %arg4: memref<10000xf32, #tpu.memory_space<hbm>>, %arg5: memref<2x10240xf32, #tpu.memory_space<hbm>>, %arg6: memref<10000xi32, #tpu.memory_space<vmem>>, %arg7: memref<10000xf32, #tpu.memory_space<vmem>>, %arg8: memref<10240xf32, #tpu.memory_space<vmem_shared>>, %arg9: memref<!tpu.dma_semaphore, #tpu.memory_space<semaphore_mem>>, %arg10: memref<!tpu.dma_semaphore, #tpu.memory_space<semaphore_mem>>) attributes {dimension_semantics = [#tpu.dimension_semantics<core_parallel>, #tpu.dimension_semantics<subcore_parallel>], iteration_bounds = array<i64: 2, 16>, scalar_prefetch = 0 : i64, scratch_operands = 5 : i64, tpu.core_type = #tpu.core_type<sc_vector_subcore>, window_params = [{transform_indices = #map}, {transform_indices = #map}, {transform_indices = #map}, {transform_indices = #map1}]} {
    %mul3A = arith.constant 16 : i32
    %mul3A_0 = arith.muli %arg0, %mul3A : i32
    %add3A = arith.addi %mul3A_0, %arg1 : i32
    %mul3A_1 = arith.constant 10000 : i32
    %mul3A_2 = arith.muli %add3A, %mul3A_1 : i32
    %dma_start3A = tpu.memref_slice %arg2[%mul3A_2] : memref<320000xi32, #tpu.memory_space<hbm>> -> memref<10000xi32, #tpu.memory_space<hbm>>
    %dma_start3A_3 = tpu.memref_slice %arg2[%mul3A_2] : memref<320000xi32, #tpu.memory_space<hbm>> -> memref<10000xi32, #tpu.memory_space<hbm>>
    tpu.enqueue_dma source(%dma_start3A_3 : memref<10000xi32, #tpu.memory_space<hbm>>) target(%arg6 : memref<10000xi32, #tpu.memory_space<vmem>>) target_semaphore(%arg9 : memref<!tpu.dma_semaphore, #tpu.memory_space<semaphore_mem>>)
    tpu.enqueue_dma source(%arg4 : memref<10000xf32, #tpu.memory_space<hbm>>) target(%arg7 : memref<10000xf32, #tpu.memory_space<vmem>>) target_semaphore(%arg10 : memref<!tpu.dma_semaphore, #tpu.memory_space<semaphore_mem>>)
    %mul3A_4 = arith.constant 640 : i32
    %mul3A_5 = arith.muli %arg1, %mul3A_4 : i32
    "tpu.region"() ({
      %run_scoped3A = tpu.sem_alloc : memref<!tpu.dma_semaphore, #tpu.memory_space<semaphore_mem>>
      %dma_start3A_10 = tpu.memref_slice %arg8[%mul3A_5] : memref<10240xf32, #tpu.memory_space<vmem_shared>> -> memref<640xf32, #tpu.memory_space<vmem_shared>>
      tpu.enqueue_dma source(%arg3 : memref<640xf32, #tpu.memory_space<hbm>>) target(%dma_start3A_10 : memref<640xf32, #tpu.memory_space<vmem_shared>>) target_semaphore(%run_scoped3A : memref<!tpu.dma_semaphore, #tpu.memory_space<semaphore_mem>>)
      %dma_wait3A_11 = tpu.memref_slice %arg8[%mul3A_5] : memref<10240xf32, #tpu.memory_space<vmem_shared>> -> memref<640xf32, #tpu.memory_space<vmem_shared>>
      tpu.wait_dma2 semaphore(%run_scoped3A : memref<!tpu.dma_semaphore, #tpu.memory_space<semaphore_mem>>) src(%arg3 : memref<640xf32, #tpu.memory_space<hbm>>) dst(%dma_wait3A_11 : memref<640xf32, #tpu.memory_space<vmem_shared>>)
      tpu.yield
    }) : () -> ()
    %barrier3A = arith.constant 0 : index
    tpu.barrier barrier_id(%barrier3A)
    %dma_wait3A = tpu.memref_slice %arg2[%mul3A_2] : memref<320000xi32, #tpu.memory_space<hbm>> -> memref<10000xi32, #tpu.memory_space<hbm>>
    %dma_wait3A_6 = tpu.memref_slice %arg2[%mul3A_2] : memref<320000xi32, #tpu.memory_space<hbm>> -> memref<10000xi32, #tpu.memory_space<hbm>>
    tpu.wait_dma2 semaphore(%arg9 : memref<!tpu.dma_semaphore, #tpu.memory_space<semaphore_mem>>) src(%dma_wait3A_6 : memref<10000xi32, #tpu.memory_space<hbm>>) dst(%arg6 : memref<10000xi32, #tpu.memory_space<vmem>>)
    tpu.wait_dma2 semaphore(%arg10 : memref<!tpu.dma_semaphore, #tpu.memory_space<semaphore_mem>>) src(%arg4 : memref<10000xf32, #tpu.memory_space<hbm>>) dst(%arg7 : memref<10000xf32, #tpu.memory_space<vmem>>)
    "tpu.region"() ({
      %run_scoped3A = tpu.sem_alloc : memref<!tpu.dma_semaphore, #tpu.memory_space<semaphore_mem>>
      %dma_start3A_10 = arith.constant 0 : i32
      %dma_start3A_11 = tpu.memref_slice %arg8[%dma_start3A_10] : memref<10240xf32, #tpu.memory_space<vmem_shared>> -> memref<10240xf32, #tpu.memory_space<vmem_shared>>
      tpu.enqueue_indirect_dma source(%arg7 : memref<10000xf32, #tpu.memory_space<vmem>>) target(%dma_start3A_11 : memref<10240xf32, #tpu.memory_space<vmem_shared>>) offsets(%arg6 : memref<10000xi32, #tpu.memory_space<vmem>>) semaphore(%run_scoped3A : memref<!tpu.dma_semaphore, #tpu.memory_space<semaphore_mem>>) {add = true}
      %dma_wait3A_12 = arith.constant 0 : i32
      %dma_wait3A_13 = tpu.memref_slice %arg8[%dma_wait3A_12] : memref<10240xf32, #tpu.memory_space<vmem_shared>> -> memref<10240xf32, #tpu.memory_space<vmem_shared>>
      tpu.wait_indirect_dma semaphore(%run_scoped3A : memref<!tpu.dma_semaphore, #tpu.memory_space<semaphore_mem>>) src(%arg7 : memref<10000xf32, #tpu.memory_space<vmem>>) dst(%dma_wait3A_13 : memref<10240xf32, #tpu.memory_space<vmem_shared>>)
      tpu.yield
    }) : () -> ()
    %barrier3A_7 = arith.constant 0 : index
    tpu.barrier barrier_id(%barrier3A_7)
    %eq3A = arith.constant 0 : i32
    %eq3A_8 = arith.cmpi eq, %arg1, %eq3A : i32
    %convert_element_type3A = arith.extui %eq3A_8 : i1 to i32
    %cond3A = arith.constant 0 : i32
    %cond3A_9 = arith.cmpi ne, %convert_element_type3A, %cond3A : i32
    scf.if %cond3A_9 {
      "tpu.region"() ({
        %run_scoped3A = tpu.sem_alloc : memref<!tpu.dma_semaphore, #tpu.memory_space<semaphore_mem>>
        %dma_start3A_10 = arith.constant 0 : i32
        %dma_start3A_11 = tpu.memref_slice %arg5[%arg0, %dma_start3A_10] : memref<2x10240xf32, #tpu.memory_space<hbm>> -> memref<1x10240xf32, #tpu.memory_space<hbm>>
        %dma_start3A_12 = tpu.memref_squeeze %dma_start3A_11 : memref<1x10240xf32, #tpu.memory_space<hbm>> -> memref<10240xf32, #tpu.memory_space<hbm>>
        tpu.enqueue_dma source(%arg8 : memref<10240xf32, #tpu.memory_space<vmem_shared>>) target(%dma_start3A_12 : memref<10240xf32, #tpu.memory_space<hbm>>) target_semaphore(%run_scoped3A : memref<!tpu.dma_semaphore, #tpu.memory_space<semaphore_mem>>)
        %dma_wait3A_13 = arith.constant 0 : i32
        %dma_wait3A_14 = tpu.memref_slice %arg5[%arg0, %dma_wait3A_13] : memref<2x10240xf32, #tpu.memory_space<hbm>> -> memref<1x10240xf32, #tpu.memory_space<hbm>>
        %dma_wait3A_15 = tpu.memref_squeeze %dma_wait3A_14 : memref<1x10240xf32, #tpu.memory_space<hbm>> -> memref<10240xf32, #tpu.memory_space<hbm>>
        tpu.wait_dma2 semaphore(%run_scoped3A : memref<!tpu.dma_semaphore, #tpu.memory_space<semaphore_mem>>) src(%arg8 : memref<10240xf32, #tpu.memory_space<vmem_shared>>) dst(%dma_wait3A_15 : memref<10240xf32, #tpu.memory_space<hbm>>)
        tpu.yield
      }) : () -> ()
    } else {
    }
    return
  }
}

module attributes {stable_mosaic.version = 14 : i64} {
  func.func @_tc_body(%arg0: i32, %arg1: memref<2x5120xf32, #tpu.memory_space<vmem>>, %arg2: memref<5120x128xf32, #tpu.memory_space<vmem>>, %arg3: memref<128x128xf32, #tpu.memory_space<vmem>>, %arg4: memref<128x128xf32, #tpu.memory_space<vmem>>, %arg5: memref<1x128xf32, #tpu.memory_space<vmem>>, %arg6: memref<5120x128xf32, #tpu.memory_space<vmem>>) attributes {dimension_semantics = [#tpu.dimension_semantics<arbitrary>], iteration_bounds = array<i64: 2>, scalar_prefetch = 0 : i64, scratch_operands = 0 : i64, tpu.core_type = #tpu.core_type<tc>, window_params = [{transform_indices = @transform_0, window_bounds = array<i64: 2, 5120>}, {transform_indices = @transform_1, window_bounds = array<i64: 5120, 128>}, {pipeline_mode = #tpu.pipeline_mode<synchronous>, transform_indices = @transform_2, window_bounds = array<i64: 128, 128>}, {pipeline_mode = #tpu.pipeline_mode<synchronous>, transform_indices = @transform_3, window_bounds = array<i64: 128, 128>}, {pipeline_mode = #tpu.pipeline_mode<synchronous>, transform_indices = @transform_4, window_bounds = array<i64: 1, 128>}, {transform_indices = @transform_5, window_bounds = array<i64: 5120, 128>}]} {
    %get3A = arith.constant 0 : index
    %get3A_0 = arith.constant 0 : index
    %get3A_1 = vector.load %arg2[%get3A, %get3A_0] : memref<5120x128xf32, #tpu.memory_space<vmem>>, vector<5120x128xf32>
    %get3A_2 = arith.constant 0 : index
    %get3A_3 = arith.constant 0 : index
    %get3A_4 = vector.load %arg3[%get3A_2, %get3A_3] : memref<128x128xf32, #tpu.memory_space<vmem>>, vector<128x128xf32>
    %dot_general3A = arith.constant dense<0.000000e+00> : vector<5120x128xf32>
    %dot_general3A_5 = tpu.matmul %get3A_1, %get3A_4, %dot_general3A {dimension_numbers = #tpu.dot_dimension_numbers<[1], [0], [0], [1], [0, 0, 1, 1], [], []>, transpose_lhs_hint = false} : vector<5120x128xf32>, vector<128x128xf32>, vector<5120x128xf32> -> vector<5120x128xf32>
    %get3A_6 = arith.constant 0 : index
    %get3A_7 = arith.constant 0 : index
    %get3A_8 = vector.load %arg4[%get3A_6, %get3A_7] : memref<128x128xf32, #tpu.memory_space<vmem>>, vector<128x128xf32>
    %dot_general3A_9 = arith.constant dense<0.000000e+00> : vector<5120x128xf32>
    %dot_general3A_10 = tpu.matmul %dot_general3A_5, %get3A_8, %dot_general3A_9 {dimension_numbers = #tpu.dot_dimension_numbers<[1], [0], [0], [1], [0, 0, 1, 1], [], []>, transpose_lhs_hint = false} : vector<5120x128xf32>, vector<128x128xf32>, vector<5120x128xf32> -> vector<5120x128xf32>
    %get3A_11 = arith.constant 0 : index
    %get3A_12 = arith.constant 0 : index
    %get3A_13 = vector.load %arg1[%get3A_11, %get3A_12] : memref<2x5120xf32, #tpu.memory_space<vmem>>, vector<1x5120xf32>
    %get3A_14 = arith.constant 1 : index
    %get3A_15 = arith.constant 0 : index
    %get3A_16 = vector.load %arg1[%get3A_14, %get3A_15] : memref<2x5120xf32, #tpu.memory_space<vmem>>, vector<1x5120xf32>
    %add3A = arith.addf %get3A_13, %get3A_16 : vector<1x5120xf32>
    %transpose3A = tpu.transpose %add3A, [1, 0] : vector<1x5120xf32> -> vector<5120x1xf32>
    %gt3A = arith.constant 0.000000e+00 : f32
    %gt3A_17 = vector.broadcast %gt3A : f32 to vector<5120x1xf32>
    %gt3A_18 = arith.cmpf ogt, %transpose3A, %gt3A_17 : vector<5120x1xf32>
    %jit3A = arith.constant 0.000000e+00 : f32
    %broadcast_in_dim3A = vector.shape_cast %gt3A_18 : vector<5120x1xi1> to vector<5120x1xi1>
    %broadcast_in_dim3A_19 = vector.broadcast %broadcast_in_dim3A : vector<5120x1xi1> to vector<5120x128xi1>
    %broadcast_in_dim3A_20 = vector.broadcast %jit3A : f32 to vector<5120x128xf32>
    %select_n3A = arith.select %broadcast_in_dim3A_19, %dot_general3A_10, %broadcast_in_dim3A_20 : vector<5120x128xi1>, vector<5120x128xf32>
    %get3A_21 = arith.constant 0 : index
    %get3A_22 = arith.constant 0 : index
    %get3A_23 = vector.load %arg5[%get3A_21, %get3A_22] : memref<1x128xf32, #tpu.memory_space<vmem>>, vector<1x128xf32>
    %add3A_24 = vector.broadcast %get3A_23 : vector<1x128xf32> to vector<5120x128xf32>
    %add3A_25 = arith.addf %select_n3A, %add3A_24 : vector<5120x128xf32>
    %swap3A = arith.constant 0 : index
    %swap3A_26 = arith.constant 0 : index
    %swap3A_27 = vector.load %arg6[%swap3A, %swap3A_26] : memref<5120x128xf32, #tpu.memory_space<vmem>>, vector<5120x128xf32>
    tpu.vector_store %arg6[%swap3A, %swap3A_26], %add3A_25 {strides = array<i32>} : memref<5120x128xf32, #tpu.memory_space<vmem>>, vector<5120x128xf32>,
    return
  }
  func.func @transform_0(%arg0: i32) -> (i32, i32) {
    %c0_i32 = arith.constant 0 : i32
    %c0_i32_0 = arith.constant 0 : i32
    return %c0_i32, %arg0 : i32, i32
  }
  func.func @transform_1(%arg0: i32) -> (i32, i32) {
    %c0_i32 = arith.constant 0 : i32
    %c0_i32_0 = arith.constant 0 : i32
    return %arg0, %c0_i32 : i32, i32
  }
  func.func @transform_2(%arg0: i32) -> (i32, i32) {
    %c0_i32 = arith.constant 0 : i32
    %c0_i32_0 = arith.constant 0 : i32
    %c0_i32_1 = arith.constant 0 : i32
    return %c0_i32, %c0_i32_0 : i32, i32
  }
  func.func @transform_3(%arg0: i32) -> (i32, i32) {
    %c0_i32 = arith.constant 0 : i32
    %c0_i32_0 = arith.constant 0 : i32
    %c0_i32_1 = arith.constant 0 : i32
    return %c0_i32, %c0_i32_0 : i32, i32
  }
  func.func @transform_4(%arg0: i32) -> (i32, i32) {
    %c0_i32 = arith.constant 0 : i32
    %c0_i32_0 = arith.constant 0 : i32
    %c0_i32_1 = arith.constant 0 : i32
    return %c0_i32, %c0_i32_0 : i32, i32
  }
  func.func @transform_5(%arg0: i32) -> (i32, i32) {
    %c0_i32 = arith.constant 0 : i32
    %c0_i32_0 = arith.constant 0 : i32
    return %arg0, %c0_i32 : i32, i32
  }
}

</mosaic_0001>

<sc_bundles>
// kernel: kernel.4.cloned.1.call-start
scs
__scs_entry_jumppad:
0x0: {  	(pc) =	sbr.rel $0x88, $3  }
0x1: {  	(tag) =	ssettag $0x0;
	lr =	simm.s32 $0x1  }
0x2: {  	[smem:$0x3F9C] =	sst lr;
	_ =	strace $0xD0000000  }
0x3: {  	_ = 	snop  }
0x4: {  	_ = 	snop  }
0x5: {  	_ = 	snop  }
0x6: {  	_ = 	snop  }
0x7: {  	_ = 	snop  }
__scs_overlays_trampoline_lowered:
0x8: {  	[smem:$0x3FAB] =	sst s0  }
0x9: {  	[smem:$0x3FAC] =	sst s1  }
0xa: {  	[smem:$0x3FAD] =	sst s2  }
0xb: {  	[smem:$0x3FAE] =	sst s3  }
0xc: {  	[smem:$0x3FAF] =	sst s4  }
0xd: {  	[smem:$0x3FB0] =	sst s5  }
0xe: {  	[smem:$0x3FB1] =	sst s6  }
0xf: {  	[smem:$0x3FB2] =	sst s7  }
0x10: {  	[smem:$0x3FB3] =	sst s8  }
0x11: {  	[smem:$0x3FB4] =	sst s9;
	s0 =	simm.s32 @!p0 $0x0  }
0x12: {  	s1 =	sld [smem:$0x3F9A];
	s0 =	simm.s32 @p0 $0x1  }
0x13: {  	[smem:$0x3FB5] =	sst s0;
	s0 =	simm.s32 @!p1 $0x0  }
0x14: {  	s2 =	sld [smem:$0x3F99];
	s0 =	simm.s32 @p1 $0x1  }
0x15: {  	[smem:$0x3FB6] =	sst s0;
	s0 =	simm.s32 @!p2 $0x0  }
0x16: {  	s3 =	sld [smem:$0x3FDB];
	s0 =	simm.s32 @p2 $0x1  }
0x17: {  	s4 =	simm.s32 $0x1BF5;
	[smem:$0x3FB8] =	sst s0  }
0x18: {  	s0 =	sld [smem:$0x3F9B];
	_ =	swait.ge [sflag:s4], $0x0  }
0x19: {  	s7 =	sld [smem:$0x3F9C]  }
0x1a: {  	s8 =	sadd.s32 $0xFFFFE003, lr  }
0x1b: {  	s9 =	sadd.s32 $0xFFFFFEF7, lr;
	s5 =	simm.s32 $0xFFFFFFFF;
	p2 =	slt.u32 s8, $0xFFFFF086  }
0x1c: {  	p1 =	slt.u32 s9, $0xF7A;
	s5 =	simm.s32 @!p2 $0x0  }
0x1d: {  	s5 =	simm.s32 @p1 $0x1;
	p0 =	seq.s32 s7, s2  }
0x1e: {  	s7 =	smul.u32 @!p0 $0xF7A, s2;
	p2 =	seq.s32 @!p0 s5, $0x0  }
0x1f: {  	s9 =	smul.u32 $0xF7A, s1;
	s8 =	simm.s32 @!p0 $0x1BF5;
	p2 =	por !p2, p0  }
0x20: {  	[sflag:s8] =	ssyncset.s32 @!p0 $0xFFFFF086;
	s6 =	sadd.s32 @!p0 s3, s7;
	s7 =	simm.s32 @!p0 $0x108  }
0x21: {  	s3 =	sadd.s32 s3, s9;
	s6 =	sadd.s32 @!p0 $0x88, s6;
	s7 =	simm.s32 @p2 $0x1082  }
0x22: {  	[simem:s7], [sflag:s8] =	dma.local @!p0 [hbm:s6], $0xF7A  }
0x23: {  	s9 =	sor.u32 $0xD0000000, s2;
	s6 =	simm.s32 $0x108;
	_ =	swait.ge @!p0 [sflag:s8], $0x0  }
0x24: {  	s3 =	sadd.s32 $0x88, s3;
	s6 =	simm.s32 @!p1 $0x1082;
	[sflag:s4] =	ssyncset.s32 $0xFFFFF086  }
0x25: {  	[simem:s6], [sflag:s4] =	dma.local [hbm:s3], $0xF7A  }
0x26: {  	[smem:$0x3F9C] =	sst s1;
	(tag) =	ssettag s2;
	_ =	strace s9  }
0x27: {  	s1 =	sld [smem:$0x3FAC]  }
0x28: {  	s2 =	sld [smem:$0x3FAD]  }
0x29: {  	s4 =	sld [smem:$0x3FAF]  }
0x2a: {  	p0 =	seq.s32 s5, $0x0;
	s5 =	sld [smem:$0x3FB0]  }
0x2b: {  	s6 =	sld [smem:$0x3FB1]  }
0x2c: {  	s7 =	sld [smem:$0x3FB2]  }
0x2d: {  	s3 =	simm.s32 $0x108;
	s8 =	sld [smem:$0x3FB3]  }
0x2e: {  	s3 =	simm.s32 @!p0 $0x1082;
	s9 =	sld [smem:$0x3FB4]  }
0x2f: {  	lr =	sadd.s32 s0, s3;
	s0 =	sld [smem:$0x3FAB]  }
0x30: {  	s3 =	sld [smem:$0x3FAE]  }
0x31: {  	[smem:$0x3FB7] =	sst s10  }
0x32: {  	s10 =	sld [smem:$0x3FB5];
	_ =	sdelay $0x3  }
0x33: {  	p0 =	seq.s32 s10, $0x1;
	s10 =	sld [smem:$0x3FB7];
	_ =	sdelay $0x3  }
0x34: {  	[smem:$0x3FB7] =	sst s10  }
0x35: {  	s10 =	sld [smem:$0x3FB6];
	_ =	sdelay $0x3  }
0x36: {  	p1 =	seq.s32 s10, $0x1;
	s10 =	sld [smem:$0x3FB7];
	_ =	sdelay $0x3  }
0x37: {  	[smem:$0x3FB7] =	sst s10  }
0x38: {  	s10 =	sld [smem:$0x3FB8]  }
0x39: {  	_ = 	snop;
	(pc) =	sbr.ind lr, $3  }
0x3a: {  	_ = 	snop  }
0x3b: {  	_ = 	snop  }
0x3c: {  	p2 =	seq.s32 s10, $0x1;
	s10 =	sld [smem:$0x3FB7]  }
0x3d: {  	_ =	shalt  }
0x3e: {  	_ =	shalt  }
0x3f: {  	_ =	shalt  }
0x40: {  	_ =	shalt  }
0x41: {  	_ =	shalt  }
0x42: {  	_ =	shalt  }
0x43: {  	_ =	shalt  }
0x44: {  	_ =	shalt  }
0x45: {  	_ =	shalt  }
0x46: {  	_ =	shalt  }
0x47: {  	_ =	shalt  }
0x48: {  	_ =	shalt  }
0x49: {  	_ =	shalt  }
0x4a: {  	_ =	shalt  }
0x4b: {  	_ =	shalt  }
0x4c: {  	_ =	shalt  }
0x4d: {  	_ =	shalt  }
0x4e: {  	_ =	shalt  }
0x4f: {  	_ =	shalt  }
0x50: {  	_ =	shalt  }
0x51: {  	_ =	shalt  }
0x52: {  	_ =	shalt  }
0x53: {  	_ =	shalt  }
0x54: {  	_ =	shalt  }
0x55: {  	_ =	shalt  }
0x56: {  	_ =	shalt  }
0x57: {  	_ =	shalt  }
0x58: {  	_ =	shalt  }
0x59: {  	_ =	shalt  }
0x5a: {  	_ =	shalt  }
0x5b: {  	_ =	shalt  }
0x5c: {  	_ =	shalt  }
0x5d: {  	_ =	shalt  }
0x5e: {  	_ =	shalt  }
0x5f: {  	_ =	shalt  }
0x60: {  	_ =	shalt  }
0x61: {  	_ =	shalt  }
0x62: {  	_ =	shalt  }
0x63: {  	_ =	shalt  }
0x64: {  	_ =	shalt  }
0x65: {  	_ =	shalt  }
0x66: {  	_ =	shalt  }
0x67: {  	_ =	shalt  }
0x68: {  	_ =	shalt  }
0x69: {  	_ =	shalt  }
0x6a: {  	_ =	shalt  }
0x6b: {  	_ =	shalt  }
0x6c: {  	_ =	shalt  }
0x6d: {  	_ =	shalt  }
0x6e: {  	_ =	shalt  }
0x6f: {  	_ =	shalt  }
0x70: {  	_ =	shalt  }
0x71: {  	_ =	shalt  }
0x72: {  	_ =	shalt  }
0x73: {  	_ =	shalt  }
0x74: {  	_ =	shalt  }
0x75: {  	_ =	shalt  }
0x76: {  	_ =	shalt  }
0x77: {  	_ =	shalt  }
0x78: {  	_ =	shalt  }
0x79: {  	_ =	shalt  }
0x7a: {  	_ =	shalt  }
0x7b: {  	_ =	shalt  }
0x7c: {  	_ =	shalt  }
0x7d: {  	_ =	shalt  }
0x7e: {  	_ =	shalt  }
0x7f: {  	_ =	shalt  }
0x80: {  	_ =	shalt  }
0x81: {  	_ =	shalt  }
0x82: {  	_ =	shalt  }
0x83: {  	_ =	shalt  }
0x84: {  	_ =	shalt  }
0x85: {  	_ =	shalt  }
0x86: {  	_ =	shalt  }
0x87: {  	_ =	shalt  }
.Lfunc_end0:
.L_simem_size_0:
called_computation_lowered:
.L_overlay_start_0:
0x88: {  	s2 =	sld [smem:$0x3FD9]  }
0x89: {  	s3 =	sld [smem:$0x3FFE];
	_ =	sdelay $0x1  }
0x8a: {  	s1 =	srdreg.scid  }
0x8b: {  	s0 =	sand.u32 $0x1, s1  }
0x8c: {  	s17 =	sshll.u32 s0, $0xA;
	s2 =	sadd.s32 s3, s2  }
0x8d: {  	s2 =	sadd.s32 s2, s17  }
0x8e: {  	[smem:$0x3FC3] =	sst s2  }
0x8f: {  	_ = 	snop  }
0x90: {  	s2 =	sld [smem:$0x3FD0];
	(tm) =	ssettm $0x1  }
0x91: {  	s18 =	sld [smem:$0x3FFB];
	_ =	sdelay $0x3  }
0x92: {  	_ =	strace s18  }
0x93: {  	s3 =	sld [smem:$0x3FFC];
	_ =	sdelay $0x3  }
0x94: {  	_ =	strace s3  }
0x95: {  	s3 =	sld [smem:$0x3FFD];
	_ =	sdelay $0x3  }
0x96: {  	_ =	strace s3  }
0x97: {  	_ =	strace $0x8FFFFFFF  }
0x98: {  	s19 =	sld [smem:$0x3FDB];
	_ =	sdelay $0x1  }
0x99: {  	s4 =	simm.s32 $_scs_section_size  }
0x9a: {  	s5 =	simm.s32 $_size__tile_overlayer_lowered;
	s6 =	simm.s32 $_tile_overlayer_lowered  }
0x9b: {  	s22 =	simm.s32 $0x1BFF;
	s21 =	sshll.u32 s6, $0x1;
	s3 =	sadd.s32 s4, s19  }
0x9c: {  	s7 =	simm.s32 $0x0;
	s20 =	sshll.u32 s5, $0x1;
	s5 =	sadd.s32 s21, s3  }
0x9d: {  	[timem:s7], [sflag:s22] =	dma.local [hbm:s5], s20  }
0x9e: {  	_ =	swait.ge [sflag:s22], s20  }
0x9f: {  	s4 =	ssub.s32 $0x0, s20;
	[sflag:s22] =	ssyncset.done $0x0  }
0xa0: {  	[sflag:s22] =	ssyncadd.s32 s4;
	_ =	sdelay $0x1  }
0xa1: {  	s23 =	simm.s32 $0x1B8B  }
0xa2: {  	_ =	swait.ge [sflag:s23], $0x1  }
0xa3: {  	[sflag:s23] =	ssyncset.done $0x0  }
0xa4: {  	s25 =	simm.s32 $0x1B8E;
	s24 =	sld [smem:$0x3FFE];
	[sflag:s23] =	ssyncadd.s32 $0xFFFFFFFF  }
0xa5: {  	s26 =	simm.s32 $execute0_lowered;
	[smem:$0x3FD2] =	sst s25  }
0xa6: {  	s5 =	sshll.u32 s26, $0x1;
	_ =	strace $0x80000046;
	[dreg:$0x1] =	wrdreg $0xFFFFFFFF  }
0xa7: {  	s28 =	simm.s32 $_size_execute0_lowered;
	s3 =	sadd.s32 s3, s5;
	[dreg:$0x0] =	wrdreg $0x0  }
0xa8: {  	s5 =	sshll.u32 s28, $0x1;
	[dreg:$0x2] =	wrdreg s3  }
0xa9: {  	[dreg:$0x3] =	wrdreg s5  }
0xaa: {  	[dreg:$0x4] =	wrdreg $0xC0  }
0xab: {  	_ =	task [dreg:s7], $0x5FFFF  }
0xac: {  	[dreg:$0x1] =	wrdreg $0xFFFFFFFF  }
0xad: {  	[dreg:$0x0] =	wrdreg $0x60  }
0xae: {  	[dreg:$0x2] =	wrdreg s2  }
0xaf: {  	[dreg:$0x3] =	wrdreg s24  }
0xb0: {  	[dreg:$0x4] =	wrdreg $0x4F000  }
0xb1: {  	[dreg:$0x5] =	wrdreg $0x9  }
0xb2: {  	_ =	task.clear_ibuf [dreg:s7], $0x6FFFF;
	_ =	strace $0x90000046  }
0xb3: {  	s29 =	simm.s32 $0x9;
	_ =	strace $0x80000048  }
0xb4: {  	_ =	swait.ge [sflag:s29], $0x1  }
0xb5: {  	[sflag:s29] =	ssyncadd.s32 $0xFFFFFFFF  }
0xb6: {  	_ =	strace $0x90000048  }
0xb7: {  	_ =	sfence  }
0xb8: {  	s30 =	sld [smem:$0x0];
	_ =	sdelay $0x2  }
0xb9: {  	s31 =	sshll.u32 s1, $0xD;
	s1 =	sshrl.u32 s1, $0x2  }
0xba: {  	s3 =	sand.u32 $0x4000, s31;
	s1 =	sadd.s32 s1, s30  }
0xbb: {  	s0 =	sor.u32 s3, s0;
	s1 =	sshll.u32 s1, $0x11  }
0xbc: {  	s0 =	sor.u32 s1, s0  }
0xbd: {  	s0 =	sadd.s32 $0x8F2B, s0  }
0xbe: {  	[sflag:s0] =	ssyncadd.remote.s32 $0x1  }
0xbf: {  	_ =	sfence.sel $0xFFFF  }
0xc0: {  	[dreg:$0x0] =	wrdreg $0xFFFFFFFF;
	(pc) =	sbr.abs _section_cstart, $3  }
0xc1: {  	[dreg:$0x1] =	wrdreg $0xFFFFFFFF  }
0xc2: {  	_ =	task.clear_ibuf [dreg:s7], $0x2FFFF;
	_ =	strace $0x9FFFFFFF  }
0xc3: {  	(tm) =	ssettm $0x7FFFFFFF  }
tec
execute0_lowered:
.L_overlay_start_1:
0x0: {  	(tag) =	ssettag $0x1  }
0x1: {  	s5 =	rddreg [dreg:$0x0]  }
0x2: {  	s12 =	rddreg [dreg:$0x1]  }
0x3: {  	s1 =	rddreg [dreg:$0x2];
	s2 =	srdreg.scid  }
0x4: {  	s0 =	rddreg [dreg:$0x3];
	s11 =	sand.u32 $0x1, s2  }
0x5: {  	s14 =	stileid.u32;
	s2 =	simm.s32 $0x0;
	s13 =	sshll.u32 s11, $0x4  }
0x6: {  	s6 =	smul.u32 $0xA00, s14;
	s3 =	sadd.s32 $0xA00, s12;
	s4 =	sor.u32 s14, s13  }
0x7: {  	s8 =	sshll.u32 s14, $0x6;
	[smem:$0x7FF] =	sst s2;
	s7 =	smul.u32 $0x4E2, s4  }
0x8: {  	_ =	strace $0x80000047;
	s6 =	sshrl.u32 s6, $0x2;
	s4 =	sadd.s32 $0xC00, s12  }
0x9: {  	s9 =	sadd.s32 s6, s1;
	s6 =	sor.u32 $0x1C03, s8;
	s5 =	sadd.s32 s5, s7  }
0xa: {  	[tilespmem:s2], [sflag:$0x1] =	stream.linear.gather [hbm4b:s5+s2], $0x2710, $0x38;
	[tilespmem:$0x5180] =	vst v63  }
0xb: {  	s8 =	sshrl.u32 s9, $0x3;
	s9 =	simm.s32 $0x3;
	s7 =	simm.s32 $0x2780  }
0xc: {  	[tilespmem:s7], [sflag:$0x2] =	stream.linear.gather [hbm4b:s4+s2], $0x2780, $0x38;
	[tilespmem:$0x5180] =	vst v63  }
0xd: {  	[spmem:s8], [sflag:s6] =	dma.local [hbm:s3], $0x50  }
0xe: {  	_ =	swait.ge [sflag:s9], $0x50  }
0xf: {  	[sflag:s9] =	ssyncset.done $0x0  }
0x10: {  	[sflag:s9] =	ssyncadd.s32 $0xFFFFFFB0  }
0x11: {  	s10 =	simm.s32 $0x1;
	[bflag:$0x0] =	sbarrier.arrive $0xFFFF  }
0x12: {  	_ =	swait.ge [sflag:s10], $0x2710  }
0x13: {  	p0 =	sne.s32 s14, $0x0;
	[sflag:s10] =	ssyncset.done $0x0  }
0x14: {  	s15 =	ssub.s32 $0x2, s11;
	s11 =	simm.s32 $0x2;
	[sflag:s10] =	ssyncadd.s32 $0xFFFFD8F0  }
0x15: {  	s17 =	simm.s32 @!p0 $0x10;
	s16 =	sshrl.u32 s15, $0x1;
	_ =	swait.ge [sflag:s11], $0x2780  }
0x16: {  	s12 =	sadd.s32 s13, s12;
	s15 =	ssub.s32 s15, s16;
	[sflag:s11] =	ssyncset.done $0x0  }
0x17: {  	s13 =	simm.s32 $0x2710;
	s16 =	smax.u32 s15, $0x1;
	[sflag:s11] =	ssyncadd.s32 $0xFFFFD880  }
0x18: {  	[spmem:s1] =	stream.indirect.scatter.add.f32 [tilespmem:s7], [sflag:$0x3], $0x1, s2, s13, $0xb8;
	[tilespmem:$0x5180] =	vst v63  }
0x19: {  	s18 =	simm.s32 @!p0 $0x1;
	s16 =	sadd.s32 $0xFFFFFFFF, s16;
	_ =	swait.ge [sflag:s9], $0x2710  }
0x1a: {  	s19 =	simm.s32 @!p0 $0x20;
	p1 =	sne.s32 s16, $0x0;
	[sflag:s9] =	ssyncset.done $0x0  }
.Ltmp0:
0x1b: {  	s14 =	simm.s32 @!p0 $0x3;
	[sflag:s9] =	ssyncadd.s32 $0xFFFFD8F0;
	(pc) =	sbr.rel @!p1 .LBB2_2-.Ltmp0, $4  }
0x1c: {  	s12 =	sadd.s32 $0x1200, s12;
	s15 =	sshrl.u32 @!p0 s1, $0x3;
	[bflag:$0x0] =	sbarrier.arrive $0xFFFF  }
0x1d: {  	[hbm:s12@s19], [sflag:s6] =	dma.strided @!p0 [spmem:s15@s17], $0x500, s18, $0x10   }
0x1e: {  	_ =	swait.ge @!p0 [sflag:s14], $0x500  }
0x1f: {  	[sflag:s14] =	ssyncset.done @!p0 $0x0  }
.LBB2_1:
0x20: {  	s16 =	sadd.s32 $0xFFFFFFFF, s16;
	[sflag:s14] =	ssyncadd.s32 @!p0 $0xFFFFFB00  }
0x21: {  	[tilespmem:s2], [sflag:$0x1] =	stream.linear.gather [hbm4b:s5+s2], $0x2710, $0x38;
	[tilespmem:$0x5180] =	vst v63  }
0x22: {  	p1 =	sne.s32 s16, $0x0  }
0x23: {  	[tilespmem:s7], [sflag:$0x2] =	stream.linear.gather [hbm4b:s4+s2], $0x2780, $0x38;
	[tilespmem:$0x5180] =	vst v63  }
0x24: {  	[spmem:s8], [sflag:s6] =	dma.local [hbm:s3], $0x50  }
0x25: {  	_ =	swait.ge [sflag:s9], $0x50  }
0x26: {  	[sflag:s9] =	ssyncset.done $0x0  }
0x27: {  	[sflag:s9] =	ssyncadd.s32 $0xFFFFFFB0  }
0x28: {  	[bflag:$0x0] =	sbarrier.arrive $0xFFFF  }
0x29: {  	_ =	swait.ge [sflag:s10], $0x2710  }
0x2a: {  	[sflag:s10] =	ssyncset.done $0x0  }
0x2b: {  	[sflag:s10] =	ssyncadd.s32 $0xFFFFD8F0  }
0x2c: {  	_ =	swait.ge [sflag:s11], $0x2780  }
0x2d: {  	[sflag:s11] =	ssyncset.done $0x0  }
0x2e: {  	[sflag:s11] =	ssyncadd.s32 $0xFFFFD880  }
0x2f: {  	[spmem:s1] =	stream.indirect.scatter.add.f32 [tilespmem:s7], [sflag:$0x3], $0x1, s2, s13, $0xb8;
	[tilespmem:$0x5180] =	vst v63  }
0x30: {  	_ =	swait.ge [sflag:s9], $0x2710  }
0x31: {  	[sflag:s9] =	ssyncset.done $0x0  }
.Ltmp1:
0x32: {  	[sflag:s9] =	ssyncadd.s32 $0xFFFFD8F0;
	(pc) =	sbr.rel @p1 .LBB2_1-.Ltmp1, $4  }
0x33: {  	[bflag:$0x0] =	sbarrier.arrive $0xFFFF  }
0x34: {  	[hbm:s12@s19], [sflag:s6] =	dma.strided @!p0 [spmem:s15@s17], $0x500, s18, $0x10   }
0x35: {  	_ =	swait.ge @!p0 [sflag:s14], $0x500  }
0x36: {  	[sflag:s14] =	ssyncset.done @!p0 $0x0  }
.LBB2_2:
0x37: {  	[sflag:s14] =	ssyncadd.s32 @!p0 $0xFFFFFB00  }
0x38: {  	_ =	sfence.sel $0x180000  }
0x39: {  	[bflag:$0x0] =	sbarrier.arrive $0xFFFF  }
0x3a: {  	_ =	strace $0x90000047  }
0x3b: {  	s0 =	sadd.s32 @!p0 $0x100000, s0;
	[bflag:$0x2] =	sbarrier.arrive $0xFFFF  }
0x3c: {  	[sflag:s0] =	ssyncadd.tile.s32 @!p0 $0x1;
	_ =	shalt  }
.Lfunc_end2:
_tile_overlayer_lowered:
.L_overlay_start_2:
0x3d: {  	(tag) =	ssettag $0x2  }
0x3e: {  	s0 =	rddreg [dreg:$0x0];
	s2 =	stileid.u32  }
0x3f: {  	s1 =	rddreg [dreg:$0x1];
	p0 =	sne.s32 s2, $0x0  }
0x40: {  	s3 =	rddreg [dreg:$0x2];
	[bflag:$0x3] =	sbarrier.arrive $0xFFFF;
	s2 =	simm.s32 @!p0 $0x1C03  }
0x41: {  	[timem:s3], [sflag:s2] =	dma.local @!p0 [hbm:s0], s1  }
0x42: {  	s0 =	simm.s32 @!p0 $0x3  }
0x43: {  	_ =	swait.ge @!p0 [sflag:s0], s1  }
0x44: {  	s1 =	ssub.s32 @!p0 $0x0, s1;
	[sflag:s0] =	ssyncset.done @!p0 $0x0  }
0x45: {  	[sflag:s0] =	ssyncadd.s32 @!p0 s1  }
0x46: {  	[bflag:$0x3] =	sbarrier.arrive $0xFFFF  }
0x47: {  	_ =	shalt  }

</sc_bundles>
